<compile_context>
chip_gen: v7x
topology: tpu7x:2x2x1
jax: 0.10.2.dev20260603
libtpu: 0.0.44.dev20260713+nightly
codegen_flags: <defaults>
</compile_context>

<pallas_src>
import functools

import jax
import jax.numpy as jnp
import numpy as np
from jax import lax
from jax.experimental import pallas as pl
from jax.experimental.pallas import tpu as pltpu
from jax.experimental.pallas import tpu_sc as plsc

_B = 500
_NP = 100
_EPG = _NP * (_NP - 1)
_G = 20
_DEG2RAD = float(np.pi / 180.0)
_EPS = 1e-5
_BIG = 1e30
_ROWP = 104
_LANEP = 128
_WPG = _ROWP * _LANEP
_NW = 32


@functools.partial(
    pl.kernel,
    mesh=plsc.VectorSubcoreMesh(core_axis_name="c", subcore_axis_name="s"),
    out_type=jax.ShapeDtypeStruct((_B * _WPG,), jnp.float32),
    scratch_types=[
        pltpu.VMEM((_EPG + 16, 4), jnp.float32),
        pltpu.VMEM((_NP * _LANEP,), jnp.float32),
    ],
    compiler_params=pltpu.CompilerParams(
        use_tc_tiling_on_sc=False, needs_layout_passes=False),
)
def _sc_extract(attr_hbm, out_hbm, abuf, sbuf):
    wid = lax.axis_index("s") * 2 + lax.axis_index("c")
    iota16 = lax.iota(jnp.int32, 16)
    zeros16 = jnp.zeros((16,), jnp.int32)

    def graph_body(k, carry):
        g = wid + _NW * k

        @pl.when(g < _B)
        def _():
            pltpu.sync_copy(attr_hbm.at[pl.ds(g * _EPG, _EPG)],
                            abuf.at[pl.ds(0, _EPG)])

            def row_body(i, c2):
                base = i * (_NP - 1)
                obase = i * _LANEP
                for c in range(7):
                    rows = (base + c * 16) + iota16
                    vals = plsc.load_gather(abuf, [rows, zeros16])
                    sbuf[pl.ds(obase + c * 16, 16)] = vals
                return c2

            lax.fori_loop(0, _NP, row_body, 0)
            pltpu.sync_copy(sbuf, out_hbm.at[pl.ds(g * _WPG, _NP * _LANEP)])

        return carry

    lax.fori_loop(0, (_B + _NW - 1) // _NW, graph_body, 0)


def _body(ang_ref, pos_ref, n_ref, d_ref, out_ref, acc_ref):
    pid = pl.program_id(0)
    nsteps = pl.num_programs(0)

    @pl.when(pid == 0)
    def _init():
        for i in range(5):
            acc_ref[i] = 0.0

    ang = ang_ref[0]
    elev = ang[:, 0:1] * _DEG2RAD
    azim = ang[:, 1:2] * _DEG2RAD
    ce = jnp.cos(elev)
    se = jnp.sin(elev)
    ca = jnp.cos(azim)
    sa = jnp.sin(azim)
    cx = ce * sa
    cy = se
    cz = ce * ca
    ndc = jnp.sqrt(cx * cx + cy * cy + cz * cz)
    zden = jnp.maximum(ndc, _EPS)
    zx = -cx / zden
    zy = -cy / zden
    zz = -cz / zden
    nx = jnp.sqrt(zz * zz + zx * zx)
    xden = jnp.maximum(nx, _EPS)
    xx = zz / xden
    xz = -zx / xden
    yx0 = zy * xz
    yy0 = zz * xx - zx * xz
    yz0 = -zy * xx
    ny = jnp.sqrt(yx0 * yx0 + yy0 * yy0 + yz0 * yz0)
    yden = jnp.maximum(ny, _EPS)
    yx = yx0 / yden
    yy = yy0 / yden
    yz = yz0 / yden
    t0 = -(xx * cx + xz * cz)
    t1 = -(yx * cx + yy * cy + yz * cz)
    zero = jnp.zeros_like(xx)
    p = jnp.concatenate([xx, yx, zero, yy, xz, yz, t0, t1], axis=1)
    p = p.reshape(_G, 4, 2)

    pos = pos_ref[...]
    homog = jnp.concatenate(
        [pos, jnp.ones((_G, _NP, 1), jnp.float32)], axis=2)
    view = jax.lax.dot_general(
        homog, p, (((2,), (1,)), ((0,), (0,))),
        precision=jax.lax.Precision.HIGHEST)

    x = view[:, :, 0:1]
    y = view[:, :, 1:2]
    sq = x * x + y * y
    ones_c = jnp.ones((_G, _NP, 1), jnp.float32)
    amat = jnp.concatenate([x, y, sq, ones_c], axis=2)
    xr = view[:, :, 0].reshape(_G, 1, _NP)
    yr = view[:, :, 1].reshape(_G, 1, _NP)
    sqr = sq[:, :, 0].reshape(_G, 1, _NP)
    ones_r = jnp.ones((_G, 1, _NP), jnp.float32)
    bmat = jnp.concatenate([-2.0 * xr, -2.0 * yr, ones_r, sqr], axis=1)
    eu2 = jax.lax.dot_general(
        amat, bmat, (((2,), (1,)), ((0,), (0,))),
        precision=jax.lax.Precision.HIGHEST)
    eu = jnp.sqrt(jnp.maximum(eu2, 0.0))

    d104 = d_ref[...]
    d99 = d104[:, : _NP, : _NP]
    d_shift = jnp.concatenate(
        [jnp.zeros((_G, _NP, 1), jnp.float32), d104[:, : _NP, : _NP - 1]],
        axis=2)
    ir = jax.lax.broadcasted_iota(jnp.int32, (_G, _NP, _NP), 1)
    ic = jax.lax.broadcasted_iota(jnp.int32, (_G, _NP, _NP), 2)
    dfull = jnp.where(ic < ir, d99, jnp.where(ic == ir, _BIG, d_shift))

    r = eu / dfull
    r2 = r * r
    a_g = jnp.sum(jnp.sum(r2, axis=2), axis=1)
    b_g = jnp.sum(jnp.sum(r, axis=2), axis=1)

    nv = n_ref[0, 0].astype(jnp.float32)
    cnt = nv * nv - nv
    w = 1000.0 / (cnt * float(_B))

    acc_ref[0] = acc_ref[0] + jnp.sum(a_g)
    acc_ref[1] = acc_ref[1] + jnp.sum(b_g)
    acc_ref[2] = acc_ref[2] + jnp.sum(w * a_g)
    acc_ref[3] = acc_ref[3] + jnp.sum(w * b_g)
    acc_ref[4] = acc_ref[4] + jnp.sum(w * cnt)

    @pl.when(pid == nsteps - 1)
    def _fin():
        t = acc_ref[1] / acc_ref[0]
        res = t * t * acc_ref[2] - 2.0 * t * acc_ref[3] + acc_ref[4]
        out_ref[...] = jnp.broadcast_to(res, (1, 1))


def kernel(angles, init_pos, n, full_edge_index, full_edge_attr, batch_vec):
    del full_edge_index, batch_vec
    nblk = _B // _G
    ang3 = angles.reshape(nblk, _G, 2)
    pos3 = init_pos.reshape(_B, _NP, 3)
    n3 = n.reshape(nblk, 1, _G)
    d3 = _sc_extract(full_edge_attr).reshape(_B, _ROWP, _LANEP)

    out = pl.pallas_call(
        _body,
        grid=(nblk,),
        in_specs=[
            pl.BlockSpec((1, _G, 2), lambda i: (i, 0, 0)),
            pl.BlockSpec((_G, _NP, 3), lambda i: (i, 0, 0)),
            pl.BlockSpec((1, 1, _G), lambda i: (i, 0, 0)),
            pl.BlockSpec((_G, _ROWP, _LANEP), lambda i: (i, 0, 0)),
        ],
        out_specs=pl.BlockSpec((1, 1), lambda i: (0, 0)),
        out_shape=jax.ShapeDtypeStruct((1, 1), jnp.float32),
        scratch_shapes=[pltpu.SMEM((8,), jnp.float32)],
    )(ang3, pos3, n3, d3)
    return out[0, 0]

# --- scband reference (transcript-rebuilt; emitter-appended) ---
"""Pipeline reference for scband-stress-vp-29978871726308 (READ-ONLY COPY).

The authoritative reference and input builder live on the scoring server;
editing this copy changes nothing except your own understanding.
"""

import jax, jax.numpy as jnp
import numpy as np

B = 500
N_PER = 100
N = B * N_PER
E_PER = N_PER * (N_PER - 1)
E = B * E_PER


def _normalize(v, eps=1e-5):
    nrm = jnp.linalg.norm(v, axis=-1, keepdims=True)
    return v / jnp.maximum(nrm, eps)


def setup_inputs(seed: int = 0):
    key = jax.random.key(seed)
    k1, k2, k3 = jax.random.split(key, 3)
    angles = jax.random.normal(k1, (B, 2), dtype=jnp.float32) * 30.0
    init_pos = jax.random.normal(k2, (N, 3), dtype=jnp.float32)
    n = jnp.full((B,), N_PER, dtype=jnp.int32)
    ii, jj = np.meshgrid(np.arange(N_PER), np.arange(N_PER), indexing='ij')
    mask = ii != jj
    src = ii[mask]
    dst = jj[mask]
    offs = (np.arange(B) * N_PER)[:, None]
    src_all = (src[None, :] + offs).reshape(-1)
    dst_all = (dst[None, :] + offs).reshape(-1)
    full_edge_index = jnp.asarray(np.stack([src_all, dst_all]), dtype=jnp.int32)
    full_edge_attr = jax.random.uniform(k3, (E, 4), dtype=jnp.float32, minval=0.1, maxval=1.1)
    batch_vec = jnp.asarray(np.repeat(np.arange(B), N_PER), dtype=jnp.int32)
    return {"angles": angles, "init_pos": init_pos, "n": n,
            "full_edge_index": full_edge_index, "full_edge_attr": full_edge_attr,
            "batch_vec": batch_vec}


def _look_at(elev_deg, azim_deg):
    # pytorch3d look_at_view_transform with dist=1, at=origin, up=(0,1,0), degrees=True
    elev = jnp.deg2rad(elev_deg)
    azim = jnp.deg2rad(azim_deg)
    x = jnp.cos(elev) * jnp.sin(azim)
    y = jnp.sin(elev)
    z = jnp.cos(elev) * jnp.cos(azim)
    C = jnp.stack([x, y, z], axis=-1)
    up = jnp.broadcast_to(jnp.array([0.0, 1.0, 0.0], dtype=C.dtype), C.shape)
    z_axis = _normalize(-C)
    x_axis = _normalize(jnp.cross(up, z_axis))
    y_axis = _normalize(jnp.cross(z_axis, x_axis))
    R = jnp.stack([x_axis, y_axis, z_axis], axis=1)
    R = jnp.transpose(R, (0, 2, 1))
    T = -jnp.einsum('bij,bj->bi', jnp.transpose(R, (0, 2, 1)), C)
    return R, T


def reference(angles, init_pos, n, full_edge_index, full_edge_attr, batch_vec):
    elev = angles[:, 0]
    azim = angles[:, 1]
    R, T = _look_at(elev, azim)
    nb = R.shape[0]
    # world-to-view matrix in pytorch3d row-vector convention: [[R,0],[T,1]]
    # (res_tf3d_obj._matrix = Rotate matrix, _transforms[0] = Translate; bmm composes them)
    M = jnp.zeros((nb, 4, 4), dtype=jnp.float32)
    M = M.at[:, :3, :3].set(R)
    M = M.at[:, 3, :3].set(T)
    M = M.at[:, 3, 3].set(1.0)
    swap = jnp.array([[1.0, 0.0, 0.0, 0.0],
                      [0.0, 1.0, 0.0, 0.0],
                      [0.0, 0.0, 0.0, 1.0],
                      [0.0, 0.0, 1.0, 0.0]], dtype=jnp.float32)
    transform = jnp.einsum('bij,jk->bik', M, swap)
    homog = jnp.concatenate([init_pos, jnp.ones((init_pos.shape[0], 1), init_pos.dtype)], axis=1)
    bt = transform[batch_vec]
    th = jnp.einsum('ni,nij->nj', homog, bt)
    view = th[:, 0:2]
    view = view - jnp.min(view, axis=0)
    node_pos = view / jnp.max(view)
    start = node_pos[full_edge_index[0]]
    end = node_pos[full_edge_index[1]]
    eu = jnp.linalg.norm(start - end, axis=1)
    d = full_edge_attr[:, 0]
    coords_pairs = jnp.concatenate([start, end], axis=1)
    S = jnp.sum(jnp.square(eu) / jnp.square(d))
    s = jnp.sum(eu / d / S)
    scal_coords = s * coords_pairs
    eu2 = jnp.linalg.norm(scal_coords[:, 0:2] - scal_coords[:, 2:4], axis=1)
    edge_stress = jnp.square(jnp.abs(eu2 - d) / d)
    index = batch_vec[full_edge_index[0]]
    graph_stress = jax.ops.segment_sum(edge_stress, index, num_segments=n.shape[0])
    nf = n.astype(jnp.float32)
    graph_stress = graph_stress * 1000.0 / (nf * nf - nf)
    return jnp.mean(graph_stress)

if __name__ == "__main__":
    import jax
    _d = setup_inputs()
    print(jax.jit(kernel)(*tuple(_d.values())))

</pallas_src>

<mosaic_0001>
#map = affine_map<(d0, d1) -> (0, 0)>
#map1 = affine_map<(d0, d1) -> (0)>
module attributes {stable_mosaic.version = 14 : i64} {
  func.func @_sc_extract(%arg0: i32, %arg1: i32, %arg2: memref<4950000x4xf32, #tpu.memory_space<hbm>>, %arg3: memref<6656000xf32, #tpu.memory_space<hbm>>, %arg4: memref<9916x4xf32, #tpu.memory_space<vmem>>, %arg5: memref<12800xf32, #tpu.memory_space<vmem>>) attributes {dimension_semantics = [#tpu.dimension_semantics<core_parallel>, #tpu.dimension_semantics<subcore_parallel>], iteration_bounds = array<i64: 2, 16>, scalar_prefetch = 0 : i64, scratch_operands = 2 : i64, tpu.core_type = #tpu.core_type<sc_vector_subcore>, window_params = [{transform_indices = #map}, {transform_indices = #map1}]} {
    %mul3A = arith.constant 2 : i32
    %mul3A_0 = arith.muli %arg1, %mul3A : i32
    %add3A = arith.addi %mul3A_0, %arg0 : i32
    %iota3A = tpu.iota {dimensions = array<i32: 0>} : vector<16xi32>
    %broadcast_in_dim3A = arith.constant 0 : i32
    %broadcast_in_dim3A_1 = vector.broadcast %broadcast_in_dim3A : i32 to vector<16xi32>
    %scan3A = arith.constant 0 : i32
    %scan3A_2 = arith.constant 0 : i32
    %scan3A_3 = arith.constant 16 : i32
    %scan3A_4 = arith.addi %scan3A_2, %scan3A_3 : i32
    %scan3A_5 = arith.constant 1 : i32
    scf.for %scan3A_7 = %scan3A_2 to %scan3A_4 step %scan3A_5  : i32 {
      %mul3A_8 = arith.constant 32 : i32
      %mul3A_9 = arith.muli %mul3A_8, %scan3A_7 : i32
      %add3A_10 = arith.addi %add3A, %mul3A_9 : i32
      %lt3A = arith.constant 500 : i32
      %lt3A_11 = arith.cmpi slt, %add3A_10, %lt3A : i32
      %convert_element_type3A = arith.extui %lt3A_11 : i1 to i32
      %cond3A = arith.constant 0 : i32
      %cond3A_12 = arith.cmpi ne, %convert_element_type3A, %cond3A : i32
      scf.if %cond3A_12 {
        %mul3A_13 = arith.constant 9900 : i32
        %mul3A_14 = arith.muli %add3A_10, %mul3A_13 : i32
        "tpu.region"() ({
          %run_scoped3A = tpu.sem_alloc : memref<!tpu.dma_semaphore, #tpu.memory_space<semaphore_mem>>
          %dma_start3A = arith.constant 0 : i32
          %dma_start3A_23 = arith.constant 0 : i32
          %dma_start3A_24 = tpu.memref_slice %arg4[%dma_start3A, %dma_start3A_23] : memref<9916x4xf32, #tpu.memory_space<vmem>> -> memref<9900x4xf32, #tpu.memory_space<vmem>>
          %dma_start3A_25 = arith.constant 0 : i32
          %dma_start3A_26 = tpu.memref_slice %arg2[%mul3A_14, %dma_start3A_25] : memref<4950000x4xf32, #tpu.memory_space<hbm>> -> memref<9900x4xf32, #tpu.memory_space<hbm>>
          %dma_start3A_27 = arith.constant 0 : i32
          %dma_start3A_28 = arith.constant 0 : i32
          %dma_start3A_29 = tpu.memref_slice %arg4[%dma_start3A_27, %dma_start3A_28] : memref<9916x4xf32, #tpu.memory_space<vmem>> -> memref<9900x4xf32, #tpu.memory_space<vmem>>
          %dma_start3A_30 = arith.constant 0 : i32
          %dma_start3A_31 = tpu.memref_slice %arg2[%mul3A_14, %dma_start3A_30] : memref<4950000x4xf32, #tpu.memory_space<hbm>> -> memref<9900x4xf32, #tpu.memory_space<hbm>>
          tpu.enqueue_dma source(%dma_start3A_31 : memref<9900x4xf32, #tpu.memory_space<hbm>>) target(%dma_start3A_29 : memref<9900x4xf32, #tpu.memory_space<vmem>>) target_semaphore(%run_scoped3A : memref<!tpu.dma_semaphore, #tpu.memory_space<semaphore_mem>>)
          %dma_wait3A = arith.constant 0 : i32
          %dma_wait3A_32 = arith.constant 0 : i32
          %dma_wait3A_33 = tpu.memref_slice %arg4[%dma_wait3A, %dma_wait3A_32] : memref<9916x4xf32, #tpu.memory_space<vmem>> -> memref<9900x4xf32, #tpu.memory_space<vmem>>
          %dma_wait3A_34 = arith.constant 0 : i32
          %dma_wait3A_35 = tpu.memref_slice %arg2[%mul3A_14, %dma_wait3A_34] : memref<4950000x4xf32, #tpu.memory_space<hbm>> -> memref<9900x4xf32, #tpu.memory_space<hbm>>
          %dma_wait3A_36 = arith.constant 0 : i32
          %dma_wait3A_37 = arith.constant 0 : i32
          %dma_wait3A_38 = tpu.memref_slice %arg4[%dma_wait3A_36, %dma_wait3A_37] : memref<9916x4xf32, #tpu.memory_space<vmem>> -> memref<9900x4xf32, #tpu.memory_space<vmem>>
          %dma_wait3A_39 = arith.constant 0 : i32
          %dma_wait3A_40 = tpu.memref_slice %arg2[%mul3A_14, %dma_wait3A_39] : memref<4950000x4xf32, #tpu.memory_space<hbm>> -> memref<9900x4xf32, #tpu.memory_space<hbm>>
          tpu.wait_dma2 semaphore(%run_scoped3A : memref<!tpu.dma_semaphore, #tpu.memory_space<semaphore_mem>>) src(%dma_wait3A_40 : memref<9900x4xf32, #tpu.memory_space<hbm>>) dst(%dma_wait3A_38 : memref<9900x4xf32, #tpu.memory_space<vmem>>)
          tpu.yield
        }) : () -> ()
        %scan3A_15 = arith.constant 0 : i32
        %scan3A_16 = arith.constant 0 : i32
        %scan3A_17 = arith.constant 100 : i32
        %scan3A_18 = arith.addi %scan3A_16, %scan3A_17 : i32
        %scan3A_19 = arith.constant 1 : i32
        scf.for %scan3A_23 = %scan3A_16 to %scan3A_18 step %scan3A_19  : i32 {
          %mul3A_24 = arith.constant 99 : i32
          %mul3A_25 = arith.muli %scan3A_23, %mul3A_24 : i32
          %mul3A_26 = arith.constant 128 : i32
          %mul3A_27 = arith.muli %scan3A_23, %mul3A_26 : i32
          %add3A_28 = arith.constant 0 : i32
          %add3A_29 = arith.addi %mul3A_25, %add3A_28 : i32
          %add3A_30 = vector.broadcast %add3A_29 : i32 to vector<16xi32>
          %add3A_31 = arith.addi %add3A_30, %iota3A : vector<16xi32>
          %gather3A = tpu.vector_load_idx %arg4[%add3A_31, %broadcast_in_dim3A_1] : memref<9916x4xf32, #tpu.memory_space<vmem>>[vector<16xi32>, vector<16xi32>], vector<16xf32>,
          %add3A_32 = arith.constant 0 : i32
          %add3A_33 = arith.addi %mul3A_27, %add3A_32 : i32
          %swap3A = arith.index_cast %add3A_33 : i32 to index
          %swap3A_34 = tpu.vector_load %arg5[%swap3A] {strides = array<i32>} : memref<12800xf32, #tpu.memory_space<vmem>>, vector<16xf32>,
          tpu.vector_store %arg5[%swap3A], %gather3A {strides = array<i32>} : memref<12800xf32, #tpu.memory_space<vmem>>, vector<16xf32>,
          %add3A_35 = arith.constant 16 : i32
          %add3A_36 = arith.addi %mul3A_25, %add3A_35 : i32
          %add3A_37 = vector.broadcast %add3A_36 : i32 to vector<16xi32>
          %add3A_38 = arith.addi %add3A_37, %iota3A : vector<16xi32>
          %gather3A_39 = tpu.vector_load_idx %arg4[%add3A_38, %broadcast_in_dim3A_1] : memref<9916x4xf32, #tpu.memory_space<vmem>>[vector<16xi32>, vector<16xi32>], vector<16xf32>,
          %add3A_40 = arith.constant 16 : i32
          %add3A_41 = arith.addi %mul3A_27, %add3A_40 : i32
          %swap3A_42 = arith.index_cast %add3A_41 : i32 to index
          %swap3A_43 = tpu.vector_load %arg5[%swap3A_42] {strides = array<i32>} : memref<12800xf32, #tpu.memory_space<vmem>>, vector<16xf32>,
          tpu.vector_store %arg5[%swap3A_42], %gather3A_39 {strides = array<i32>} : memref<12800xf32, #tpu.memory_space<vmem>>, vector<16xf32>,
          %add3A_44 = arith.constant 32 : i32
          %add3A_45 = arith.addi %mul3A_25, %add3A_44 : i32
          %add3A_46 = vector.broadcast %add3A_45 : i32 to vector<16xi32>
          %add3A_47 = arith.addi %add3A_46, %iota3A : vector<16xi32>
          %gather3A_48 = tpu.vector_load_idx %arg4[%add3A_47, %broadcast_in_dim3A_1] : memref<9916x4xf32, #tpu.memory_space<vmem>>[vector<16xi32>, vector<16xi32>], vector<16xf32>,
          %add3A_49 = arith.constant 32 : i32
          %add3A_50 = arith.addi %mul3A_27, %add3A_49 : i32
          %swap3A_51 = arith.index_cast %add3A_50 : i32 to index
          %swap3A_52 = tpu.vector_load %arg5[%swap3A_51] {strides = array<i32>} : memref<12800xf32, #tpu.memory_space<vmem>>, vector<16xf32>,
          tpu.vector_store %arg5[%swap3A_51], %gather3A_48 {strides = array<i32>} : memref<12800xf32, #tpu.memory_space<vmem>>, vector<16xf32>,
          %add3A_53 = arith.constant 48 : i32
          %add3A_54 = arith.addi %mul3A_25, %add3A_53 : i32
          %add3A_55 = vector.broadcast %add3A_54 : i32 to vector<16xi32>
          %add3A_56 = arith.addi %add3A_55, %iota3A : vector<16xi32>
          %gather3A_57 = tpu.vector_load_idx %arg4[%add3A_56, %broadcast_in_dim3A_1] : memref<9916x4xf32, #tpu.memory_space<vmem>>[vector<16xi32>, vector<16xi32>], vector<16xf32>,
          %add3A_58 = arith.constant 48 : i32
          %add3A_59 = arith.addi %mul3A_27, %add3A_58 : i32
          %swap3A_60 = arith.index_cast %add3A_59 : i32 to index
          %swap3A_61 = tpu.vector_load %arg5[%swap3A_60] {strides = array<i32>} : memref<12800xf32, #tpu.memory_space<vmem>>, vector<16xf32>,
          tpu.vector_store %arg5[%swap3A_60], %gather3A_57 {strides = array<i32>} : memref<12800xf32, #tpu.memory_space<vmem>>, vector<16xf32>,
          %add3A_62 = arith.constant 64 : i32
          %add3A_63 = arith.addi %mul3A_25, %add3A_62 : i32
          %add3A_64 = vector.broadcast %add3A_63 : i32 to vector<16xi32>
          %add3A_65 = arith.addi %add3A_64, %iota3A : vector<16xi32>
          %gather3A_66 = tpu.vector_load_idx %arg4[%add3A_65, %broadcast_in_dim3A_1] : memref<9916x4xf32, #tpu.memory_space<vmem>>[vector<16xi32>, vector<16xi32>], vector<16xf32>,
          %add3A_67 = arith.constant 64 : i32
          %add3A_68 = arith.addi %mul3A_27, %add3A_67 : i32
          %swap3A_69 = arith.index_cast %add3A_68 : i32 to index
          %swap3A_70 = tpu.vector_load %arg5[%swap3A_69] {strides = array<i32>} : memref<12800xf32, #tpu.memory_space<vmem>>, vector<16xf32>,
          tpu.vector_store %arg5[%swap3A_69], %gather3A_66 {strides = array<i32>} : memref<12800xf32, #tpu.memory_space<vmem>>, vector<16xf32>,
          %add3A_71 = arith.constant 80 : i32
          %add3A_72 = arith.addi %mul3A_25, %add3A_71 : i32
          %add3A_73 = vector.broadcast %add3A_72 : i32 to vector<16xi32>
          %add3A_74 = arith.addi %add3A_73, %iota3A : vector<16xi32>
          %gather3A_75 = tpu.vector_load_idx %arg4[%add3A_74, %broadcast_in_dim3A_1] : memref<9916x4xf32, #tpu.memory_space<vmem>>[vector<16xi32>, vector<16xi32>], vector<16xf32>,
          %add3A_76 = arith.constant 80 : i32
          %add3A_77 = arith.addi %mul3A_27, %add3A_76 : i32
          %swap3A_78 = arith.index_cast %add3A_77 : i32 to index
          %swap3A_79 = tpu.vector_load %arg5[%swap3A_78] {strides = array<i32>} : memref<12800xf32, #tpu.memory_space<vmem>>, vector<16xf32>,
          tpu.vector_store %arg5[%swap3A_78], %gather3A_75 {strides = array<i32>} : memref<12800xf32, #tpu.memory_space<vmem>>, vector<16xf32>,
          %add3A_80 = arith.constant 96 : i32
          %add3A_81 = arith.addi %mul3A_25, %add3A_80 : i32
          %add3A_82 = vector.broadcast %add3A_81 : i32 to vector<16xi32>
          %add3A_83 = arith.addi %add3A_82, %iota3A : vector<16xi32>
          %gather3A_84 = tpu.vector_load_idx %arg4[%add3A_83, %broadcast_in_dim3A_1] : memref<9916x4xf32, #tpu.memory_space<vmem>>[vector<16xi32>, vector<16xi32>], vector<16xf32>,
          %add3A_85 = arith.constant 96 : i32
          %add3A_86 = arith.addi %mul3A_27, %add3A_85 : i32
          %swap3A_87 = arith.index_cast %add3A_86 : i32 to index
          %swap3A_88 = tpu.vector_load %arg5[%swap3A_87] {strides = array<i32>} : memref<12800xf32, #tpu.memory_space<vmem>>, vector<16xf32>,
          tpu.vector_store %arg5[%swap3A_87], %gather3A_84 {strides = array<i32>} : memref<12800xf32, #tpu.memory_space<vmem>>, vector<16xf32>,
        }
        %scan3A_20 = arith.constant 100 : i32
        %mul3A_21 = arith.constant 13312 : i32
        %mul3A_22 = arith.muli %add3A_10, %mul3A_21 : i32
        "tpu.region"() ({
          %run_scoped3A = tpu.sem_alloc : memref<!tpu.dma_semaphore, #tpu.memory_space<semaphore_mem>>
          %dma_start3A = tpu.memref_slice %arg3[%mul3A_22] : memref<6656000xf32, #tpu.memory_space<hbm>> -> memref<12800xf32, #tpu.memory_space<hbm>>
          %dma_start3A_23 = tpu.memref_slice %arg3[%mul3A_22] : memref<6656000xf32, #tpu.memory_space<hbm>> -> memref<12800xf32, #tpu.memory_space<hbm>>
          tpu.enqueue_dma source(%arg5 : memref<12800xf32, #tpu.memory_space<vmem>>) target(%dma_start3A_23 : memref<12800xf32, #tpu.memory_space<hbm>>) target_semaphore(%run_scoped3A : memref<!tpu.dma_semaphore, #tpu.memory_space<semaphore_mem>>)
          %dma_wait3A = tpu.memref_slice %arg3[%mul3A_22] : memref<6656000xf32, #tpu.memory_space<hbm>> -> memref<12800xf32, #tpu.memory_space<hbm>>
          %dma_wait3A_24 = tpu.memref_slice %arg3[%mul3A_22] : memref<6656000xf32, #tpu.memory_space<hbm>> -> memref<12800xf32, #tpu.memory_space<hbm>>
          tpu.wait_dma2 semaphore(%run_scoped3A : memref<!tpu.dma_semaphore, #tpu.memory_space<semaphore_mem>>) src(%arg5 : memref<12800xf32, #tpu.memory_space<vmem>>) dst(%dma_wait3A_24 : memref<12800xf32, #tpu.memory_space<hbm>>)
          tpu.yield
        }) : () -> ()
      } else {
      }
    }
    %scan3A_6 = arith.constant 16 : i32
    return
  }
}

module attributes {stable_mosaic.version = 14 : i64} {
  func.func @_body(%arg0: i32, %arg1: memref<1x20x2xf32, #tpu.memory_space<vmem>>, %arg2: memref<20x100x3xf32, #tpu.memory_space<vmem>>, %arg3: memref<1x1x20xi32, #tpu.memory_space<vmem>>, %arg4: memref<20x104x128xf32, #tpu.memory_space<vmem>>, %arg5: memref<1x1xf32, #tpu.memory_space<vmem>>, %arg6: memref<8xf32, #tpu.memory_space<smem>>) attributes {dimension_semantics = [#tpu.dimension_semantics<arbitrary>], iteration_bounds = array<i64: 25>, scalar_prefetch = 0 : i64, scratch_operands = 1 : i64, tpu.core_type = #tpu.core_type<tc>, window_params = [{transform_indices = @transform_0, window_bounds = array<i64: 1, 20, 2>}, {transform_indices = @transform_1, window_bounds = array<i64: 20, 100, 3>}, {transform_indices = @transform_2, window_bounds = array<i64: 1, 1, 20>}, {transform_indices = @transform_3, window_bounds = array<i64: 20, 104, 128>}, {pipeline_mode = #tpu.pipeline_mode<synchronous>, transform_indices = @transform_4, window_bounds = array<i64: 1, 1>}]} {
    %eq3A = arith.constant 0 : i32
    %eq3A_0 = arith.cmpi eq, %arg0, %eq3A : i32
    %convert_element_type3A = arith.extui %eq3A_0 : i1 to i32
    %cond3A = arith.constant 0 : i32
    %cond3A_1 = arith.cmpi ne, %convert_element_type3A, %cond3A : i32
    scf.if %cond3A_1 {
      %swap3A_209 = arith.constant 0.000000e+00 : f32
      %swap3A_210 = arith.constant 0 : index
      %swap3A_211 = memref.load %arg6[%swap3A_210] : memref<8xf32, #tpu.memory_space<smem>>
      memref.store %swap3A_209, %arg6[%swap3A_210] : memref<8xf32, #tpu.memory_space<smem>>
      %swap3A_212 = arith.constant 0.000000e+00 : f32
      %swap3A_213 = arith.constant 1 : index
      %swap3A_214 = memref.load %arg6[%swap3A_213] : memref<8xf32, #tpu.memory_space<smem>>
      memref.store %swap3A_212, %arg6[%swap3A_213] : memref<8xf32, #tpu.memory_space<smem>>
      %swap3A_215 = arith.constant 0.000000e+00 : f32
      %swap3A_216 = arith.constant 2 : index
      %swap3A_217 = memref.load %arg6[%swap3A_216] : memref<8xf32, #tpu.memory_space<smem>>
      memref.store %swap3A_215, %arg6[%swap3A_216] : memref<8xf32, #tpu.memory_space<smem>>
      %swap3A_218 = arith.constant 0.000000e+00 : f32
      %swap3A_219 = arith.constant 3 : index
      %swap3A_220 = memref.load %arg6[%swap3A_219] : memref<8xf32, #tpu.memory_space<smem>>
      memref.store %swap3A_218, %arg6[%swap3A_219] : memref<8xf32, #tpu.memory_space<smem>>
      %swap3A_221 = arith.constant 0.000000e+00 : f32
      %swap3A_222 = arith.constant 4 : index
      %swap3A_223 = memref.load %arg6[%swap3A_222] : memref<8xf32, #tpu.memory_space<smem>>
      memref.store %swap3A_221, %arg6[%swap3A_222] : memref<8xf32, #tpu.memory_space<smem>>
    } else {
    }
    %get3A = arith.constant 0 : index
    %get3A_2 = arith.constant 0 : index
    %get3A_3 = arith.constant 0 : index
    %get3A_4 = vector.load %arg1[%get3A, %get3A_2, %get3A_3] : memref<1x20x2xf32, #tpu.memory_space<vmem>>, vector<1x20x2xf32>
    %get3A_5 = vector.shape_cast %get3A_4 : vector<1x20x2xf32> to vector<20x2xf32>
    %slice3A = vector.extract_strided_slice %get3A_5 {offsets = [0, 0], sizes = [20, 1], strides = [1, 1]} : vector<20x2xf32> to vector<20x1xf32>
    %mul3A = arith.constant 0.0174532924 : f32
    %mul3A_6 = vector.broadcast %mul3A : f32 to vector<20x1xf32>
    %mul3A_7 = arith.mulf %slice3A, %mul3A_6 : vector<20x1xf32>
    %slice3A_8 = vector.extract_strided_slice %get3A_5 {offsets = [0, 1], sizes = [20, 1], strides = [1, 1]} : vector<20x2xf32> to vector<20x1xf32>
    %mul3A_9 = arith.constant 0.0174532924 : f32
    %mul3A_10 = vector.broadcast %mul3A_9 : f32 to vector<20x1xf32>
    %mul3A_11 = arith.mulf %slice3A_8, %mul3A_10 : vector<20x1xf32>
    %cos3A = math.cos %mul3A_7 : vector<20x1xf32>
    %sin3A = math.sin %mul3A_7 : vector<20x1xf32>
    %cos3A_12 = math.cos %mul3A_11 : vector<20x1xf32>
    %sin3A_13 = math.sin %mul3A_11 : vector<20x1xf32>
    %mul3A_14 = arith.mulf %cos3A, %sin3A_13 : vector<20x1xf32>
    %mul3A_15 = arith.mulf %cos3A, %cos3A_12 : vector<20x1xf32>
    %mul3A_16 = arith.mulf %mul3A_14, %mul3A_14 : vector<20x1xf32>
    %mul3A_17 = arith.mulf %sin3A, %sin3A : vector<20x1xf32>
    %add3A = arith.addf %mul3A_16, %mul3A_17 : vector<20x1xf32>
    %mul3A_18 = arith.mulf %mul3A_15, %mul3A_15 : vector<20x1xf32>
    %add3A_19 = arith.addf %add3A, %mul3A_18 : vector<20x1xf32>
    %sqrt3A = math.sqrt %add3A_19 : vector<20x1xf32>
    %max3A = arith.constant 9.99999974E-6 : f32
    %max3A_20 = vector.broadcast %max3A : f32 to vector<20x1xf32>
    %max3A_21 = arith.maximumf %sqrt3A, %max3A_20 : vector<20x1xf32>
    %neg3A = arith.constant 0.000000e+00 : f32
    %neg3A_22 = vector.broadcast %neg3A : f32 to vector<20x1xf32>
    %neg3A_23 = arith.subf %neg3A_22, %mul3A_14 : vector<20x1xf32>
    %div3A = arith.divf %neg3A_23, %max3A_21 : vector<20x1xf32>
    %neg3A_24 = arith.constant 0.000000e+00 : f32
    %neg3A_25 = vector.broadcast %neg3A_24 : f32 to vector<20x1xf32>
    %neg3A_26 = arith.subf %neg3A_25, %sin3A : vector<20x1xf32>
    %div3A_27 = arith.divf %neg3A_26, %max3A_21 : vector<20x1xf32>
    %neg3A_28 = arith.constant 0.000000e+00 : f32
    %neg3A_29 = vector.broadcast %neg3A_28 : f32 to vector<20x1xf32>
    %neg3A_30 = arith.subf %neg3A_29, %mul3A_15 : vector<20x1xf32>
    %div3A_31 = arith.divf %neg3A_30, %max3A_21 : vector<20x1xf32>
    %mul3A_32 = arith.mulf %div3A_31, %div3A_31 : vector<20x1xf32>
    %mul3A_33 = arith.mulf %div3A, %div3A : vector<20x1xf32>
    %add3A_34 = arith.addf %mul3A_32, %mul3A_33 : vector<20x1xf32>
    %sqrt3A_35 = math.sqrt %add3A_34 : vector<20x1xf32>
    %max3A_36 = arith.constant 9.99999974E-6 : f32
    %max3A_37 = vector.broadcast %max3A_36 : f32 to vector<20x1xf32>
    %max3A_38 = arith.maximumf %sqrt3A_35, %max3A_37 : vector<20x1xf32>
    %div3A_39 = arith.divf %div3A_31, %max3A_38 : vector<20x1xf32>
    %neg3A_40 = arith.constant 0.000000e+00 : f32
    %neg3A_41 = vector.broadcast %neg3A_40 : f32 to vector<20x1xf32>
    %neg3A_42 = arith.subf %neg3A_41, %div3A : vector<20x1xf32>
    %div3A_43 = arith.divf %neg3A_42, %max3A_38 : vector<20x1xf32>
    %mul3A_44 = arith.mulf %div3A_27, %div3A_43 : vector<20x1xf32>
    %mul3A_45 = arith.mulf %div3A_31, %div3A_39 : vector<20x1xf32>
    %mul3A_46 = arith.mulf %div3A, %div3A_43 : vector<20x1xf32>
    %sub3A = arith.subf %mul3A_45, %mul3A_46 : vector<20x1xf32>
    %neg3A_47 = arith.constant 0.000000e+00 : f32
    %neg3A_48 = vector.broadcast %neg3A_47 : f32 to vector<20x1xf32>
    %neg3A_49 = arith.subf %neg3A_48, %div3A_27 : vector<20x1xf32>
    %mul3A_50 = arith.mulf %neg3A_49, %div3A_39 : vector<20x1xf32>
    %mul3A_51 = arith.mulf %mul3A_44, %mul3A_44 : vector<20x1xf32>
    %mul3A_52 = arith.mulf %sub3A, %sub3A : vector<20x1xf32>
    %add3A_53 = arith.addf %mul3A_51, %mul3A_52 : vector<20x1xf32>
    %mul3A_54 = arith.mulf %mul3A_50, %mul3A_50 : vector<20x1xf32>
    %add3A_55 = arith.addf %add3A_53, %mul3A_54 : vector<20x1xf32>
    %sqrt3A_56 = math.sqrt %add3A_55 : vector<20x1xf32>
    %max3A_57 = arith.constant 9.99999974E-6 : f32
    %max3A_58 = vector.broadcast %max3A_57 : f32 to vector<20x1xf32>
    %max3A_59 = arith.maximumf %sqrt3A_56, %max3A_58 : vector<20x1xf32>
    %div3A_60 = arith.divf %mul3A_44, %max3A_59 : vector<20x1xf32>
    %div3A_61 = arith.divf %sub3A, %max3A_59 : vector<20x1xf32>
    %div3A_62 = arith.divf %mul3A_50, %max3A_59 : vector<20x1xf32>
    %mul3A_63 = arith.mulf %div3A_39, %mul3A_14 : vector<20x1xf32>
    %mul3A_64 = arith.mulf %div3A_43, %mul3A_15 : vector<20x1xf32>
    %add3A_65 = arith.addf %mul3A_63, %mul3A_64 : vector<20x1xf32>
    %neg3A_66 = arith.constant 0.000000e+00 : f32
    %neg3A_67 = vector.broadcast %neg3A_66 : f32 to vector<20x1xf32>
    %neg3A_68 = arith.subf %neg3A_67, %add3A_65 : vector<20x1xf32>
    %mul3A_69 = arith.mulf %div3A_60, %mul3A_14 : vector<20x1xf32>
    %mul3A_70 = arith.mulf %div3A_61, %sin3A : vector<20x1xf32>
    %add3A_71 = arith.addf %mul3A_69, %mul3A_70 : vector<20x1xf32>
    %mul3A_72 = arith.mulf %div3A_62, %mul3A_15 : vector<20x1xf32>
    %add3A_73 = arith.addf %add3A_71, %mul3A_72 : vector<20x1xf32>
    %neg3A_74 = arith.constant 0.000000e+00 : f32
    %neg3A_75 = vector.broadcast %neg3A_74 : f32 to vector<20x1xf32>
    %neg3A_76 = arith.subf %neg3A_75, %add3A_73 : vector<20x1xf32>
    %broadcast_in_dim3A = arith.constant 0.000000e+00 : f32
    %broadcast_in_dim3A_77 = vector.broadcast %broadcast_in_dim3A : f32 to vector<20x1xf32>
    %concatenate3A = tpu.concatenate %div3A_39, %div3A_60, %broadcast_in_dim3A_77, %div3A_61, %div3A_43, %div3A_62, %neg3A_68, %neg3A_76 in 1 : vector<20x1xf32>, vector<20x1xf32>, vector<20x1xf32>, vector<20x1xf32>, vector<20x1xf32>, vector<20x1xf32>, vector<20x1xf32>, vector<20x1xf32> -> vector<20x8xf32>
    %reshape3A = vector.shape_cast %concatenate3A : vector<20x8xf32> to vector<20x4x2xf32>
    %get3A_78 = arith.constant 0 : index
    %get3A_79 = arith.constant 0 : index
    %get3A_80 = arith.constant 0 : index
    %get3A_81 = vector.load %arg2[%get3A_78, %get3A_79, %get3A_80] : memref<20x100x3xf32, #tpu.memory_space<vmem>>, vector<20x100x3xf32>
    %broadcast_in_dim3A_82 = arith.constant 1.000000e+00 : f32
    %broadcast_in_dim3A_83 = vector.broadcast %broadcast_in_dim3A_82 : f32 to vector<20x100x1xf32>
    %concatenate3A_84 = tpu.concatenate %get3A_81, %broadcast_in_dim3A_83 in 2 : vector<20x100x3xf32>, vector<20x100x1xf32> -> vector<20x100x4xf32>
    %dot_general3A = arith.constant dense<0.000000e+00> : vector<20x100x2xf32>
    %dot_general3A_85 = tpu.matmul %concatenate3A_84, %reshape3A, %dot_general3A {dimension_numbers = #tpu.dot_dimension_numbers<[2], [1], [1], [2], [0, 0, 0, 1, 1, 2], [0], [0]>, precision = #tpu.contract_precision<fp32>, transpose_lhs_hint = false} : vector<20x100x4xf32>, vector<20x4x2xf32>, vector<20x100x2xf32> -> vector<20x100x2xf32>
    %slice3A_86 = vector.extract_strided_slice %dot_general3A_85 {offsets = [0, 0, 0], sizes = [20, 100, 1], strides = [1, 1, 1]} : vector<20x100x2xf32> to vector<20x100x1xf32>
    %slice3A_87 = vector.extract_strided_slice %dot_general3A_85 {offsets = [0, 0, 1], sizes = [20, 100, 1], strides = [1, 1, 1]} : vector<20x100x2xf32> to vector<20x100x1xf32>
    %mul3A_88 = arith.mulf %slice3A_86, %slice3A_86 : vector<20x100x1xf32>
    %mul3A_89 = arith.mulf %slice3A_87, %slice3A_87 : vector<20x100x1xf32>
    %add3A_90 = arith.addf %mul3A_88, %mul3A_89 : vector<20x100x1xf32>
    %broadcast_in_dim3A_91 = arith.constant 1.000000e+00 : f32
    %broadcast_in_dim3A_92 = vector.broadcast %broadcast_in_dim3A_91 : f32 to vector<20x100x1xf32>
    %concatenate3A_93 = tpu.concatenate %slice3A_86, %slice3A_87, %add3A_90, %broadcast_in_dim3A_92 in 2 : vector<20x100x1xf32>, vector<20x100x1xf32>, vector<20x100x1xf32>, vector<20x100x1xf32> -> vector<20x100x4xf32>
    %slice3A_94 = vector.extract_strided_slice %dot_general3A_85 {offsets = [0, 0, 0], sizes = [20, 100, 1], strides = [1, 1, 1]} : vector<20x100x2xf32> to vector<20x100x1xf32>
    %squeeze3A = vector.shape_cast %slice3A_94 : vector<20x100x1xf32> to vector<20x100xf32>
    %reshape3A_95 = vector.shape_cast %squeeze3A : vector<20x100xf32> to vector<20x1x100xf32>
    %slice3A_96 = vector.extract_strided_slice %dot_general3A_85 {offsets = [0, 0, 1], sizes = [20, 100, 1], strides = [1, 1, 1]} : vector<20x100x2xf32> to vector<20x100x1xf32>
    %squeeze3A_97 = vector.shape_cast %slice3A_96 : vector<20x100x1xf32> to vector<20x100xf32>
    %reshape3A_98 = vector.shape_cast %squeeze3A_97 : vector<20x100xf32> to vector<20x1x100xf32>
    %squeeze3A_99 = vector.shape_cast %add3A_90 : vector<20x100x1xf32> to vector<20x100xf32>
    %reshape3A_100 = vector.shape_cast %squeeze3A_99 : vector<20x100xf32> to vector<20x1x100xf32>
    %broadcast_in_dim3A_101 = arith.constant 1.000000e+00 : f32
    %broadcast_in_dim3A_102 = vector.broadcast %broadcast_in_dim3A_101 : f32 to vector<20x1x100xf32>
    %mul3A_103 = arith.constant -2.000000e+00 : f32
    %mul3A_104 = vector.broadcast %mul3A_103 : f32 to vector<20x1x100xf32>
    %mul3A_105 = arith.mulf %mul3A_104, %reshape3A_95 : vector<20x1x100xf32>
    %mul3A_106 = arith.constant -2.000000e+00 : f32
    %mul3A_107 = vector.broadcast %mul3A_106 : f32 to vector<20x1x100xf32>
    %mul3A_108 = arith.mulf %mul3A_107, %reshape3A_98 : vector<20x1x100xf32>
    %concatenate3A_109 = tpu.concatenate %mul3A_105, %mul3A_108, %broadcast_in_dim3A_102, %reshape3A_100 in 1 : vector<20x1x100xf32>, vector<20x1x100xf32>, vector<20x1x100xf32>, vector<20x1x100xf32> -> vector<20x4x100xf32>
    %dot_general3A_110 = arith.constant dense<0.000000e+00> : vector<20x100x100xf32>
    %dot_general3A_111 = tpu.matmul %concatenate3A_93, %concatenate3A_109, %dot_general3A_110 {dimension_numbers = #tpu.dot_dimension_numbers<[2], [1], [1], [2], [0, 0, 0, 1, 1, 2], [0], [0]>, precision = #tpu.contract_precision<fp32>, transpose_lhs_hint = false} : vector<20x100x4xf32>, vector<20x4x100xf32>, vector<20x100x100xf32> -> vector<20x100x100xf32>
    %max3A_112 = arith.constant 0.000000e+00 : f32
    %max3A_113 = vector.broadcast %max3A_112 : f32 to vector<20x100x100xf32>
    %max3A_114 = arith.maximumf %dot_general3A_111, %max3A_113 : vector<20x100x100xf32>
    %sqrt3A_115 = math.sqrt %max3A_114 : vector<20x100x100xf32>
    %get3A_116 = arith.constant 0 : index
    %get3A_117 = arith.constant 0 : index
    %get3A_118 = arith.constant 0 : index
    %get3A_119 = vector.load %arg4[%get3A_116, %get3A_117, %get3A_118] : memref<20x104x128xf32, #tpu.memory_space<vmem>>, vector<20x104x128xf32>
    %slice3A_120 = vector.extract_strided_slice %get3A_119 {offsets = [0, 0, 0], sizes = [20, 100, 100], strides = [1, 1, 1]} : vector<20x104x128xf32> to vector<20x100x100xf32>
    %broadcast_in_dim3A_121 = arith.constant 0.000000e+00 : f32
    %broadcast_in_dim3A_122 = vector.broadcast %broadcast_in_dim3A_121 : f32 to vector<20x100x1xf32>
    %slice3A_123 = vector.extract_strided_slice %get3A_119 {offsets = [0, 0, 0], sizes = [20, 100, 99], strides = [1, 1, 1]} : vector<20x104x128xf32> to vector<20x100x99xf32>
    %concatenate3A_124 = tpu.concatenate %broadcast_in_dim3A_122, %slice3A_123 in 2 : vector<20x100x1xf32>, vector<20x100x99xf32> -> vector<20x100x100xf32>
    %iota3A = tpu.iota {dimensions = array<i32: 1>} : vector<20x100x100xi32>
    %iota3A_125 = tpu.iota {dimensions = array<i32: 2>} : vector<20x100x100xi32>
    %lt3A = arith.cmpi slt, %iota3A_125, %iota3A : vector<20x100x100xi32>
    %eq3A_126 = arith.cmpi eq, %iota3A_125, %iota3A : vector<20x100x100xi32>
    %jit3A = arith.constant 1.000000e+30 : f32
    %broadcast_in_dim3A_127 = vector.broadcast %jit3A : f32 to vector<20x100x100xf32>
    %select_n3A = arith.select %eq3A_126, %broadcast_in_dim3A_127, %concatenate3A_124 : vector<20x100x100xi1>, vector<20x100x100xf32>
    %select_n3A_128 = arith.select %lt3A, %slice3A_120, %select_n3A : vector<20x100x100xi1>, vector<20x100x100xf32>
    %div3A_129 = arith.divf %sqrt3A_115, %select_n3A_128 : vector<20x100x100xf32>
    %mul3A_130 = arith.mulf %div3A_129, %div3A_129 : vector<20x100x100xf32>
    %reduce_sum3A = arith.constant dense<0.000000e+00> : vector<20x100xf32>
    %reduce_sum3A_131 = vector.multi_reduction <add>, %mul3A_130, %reduce_sum3A [2] : vector<20x100x100xf32> to vector<20x100xf32>
    %reduce_sum3A_132 = arith.constant dense<0.000000e+00> : vector<20xf32>
    %reduce_sum3A_133 = vector.multi_reduction <add>, %reduce_sum3A_131, %reduce_sum3A_132 [1] : vector<20x100xf32> to vector<20xf32>
    %reduce_sum3A_134 = arith.constant dense<0.000000e+00> : vector<20x100xf32>
    %reduce_sum3A_135 = vector.multi_reduction <add>, %div3A_129, %reduce_sum3A_134 [2] : vector<20x100x100xf32> to vector<20x100xf32>
    %reduce_sum3A_136 = arith.constant dense<0.000000e+00> : vector<20xf32>
    %reduce_sum3A_137 = vector.multi_reduction <add>, %reduce_sum3A_135, %reduce_sum3A_136 [1] : vector<20x100xf32> to vector<20xf32>
    %get3A_138 = arith.constant 0 : index
    %get3A_139 = arith.constant 0 : index
    %get3A_140 = arith.constant 0 : index
    %get3A_141 = vector.load %arg3[%get3A_138, %get3A_139, %get3A_140] : memref<1x1x20xi32, #tpu.memory_space<vmem>>, vector<1x1x20xi32>
    %get3A_142 = vector.shape_cast %get3A_141 : vector<1x1x20xi32> to vector<20xi32>
    %convert_element_type3A_143 = arith.sitofp %get3A_142 : vector<20xi32> to vector<20xf32>
    %mul3A_144 = arith.mulf %convert_element_type3A_143, %convert_element_type3A_143 : vector<20xf32>
    %sub3A_145 = arith.subf %mul3A_144, %convert_element_type3A_143 : vector<20xf32>
    %mul3A_146 = arith.constant 5.000000e+02 : f32
    %mul3A_147 = vector.broadcast %mul3A_146 : f32 to vector<20xf32>
    %mul3A_148 = arith.mulf %sub3A_145, %mul3A_147 : vector<20xf32>
    %div3A_149 = arith.constant 1.000000e+03 : f32
    %div3A_150 = vector.broadcast %div3A_149 : f32 to vector<20xf32>
    %div3A_151 = arith.divf %div3A_150, %mul3A_148 : vector<20xf32>
    %get3A_152 = arith.constant 0 : index
    %get3A_153 = memref.load %arg6[%get3A_152] : memref<8xf32, #tpu.memory_space<smem>>
    %reduce_sum3A_154 = vector.shape_cast %reduce_sum3A_133 : vector<20xf32> to vector<1x20xf32>
    %reduce_sum3A_155 = arith.constant dense<0.000000e+00> : vector<1xf32>
    %reduce_sum3A_156 = vector.multi_reduction <add>, %reduce_sum3A_154, %reduce_sum3A_155 [1] : vector<1x20xf32> to vector<1xf32>
    %reduce_sum3A_157 = vector.shape_cast %reduce_sum3A_156 : vector<1xf32> to vector<1x1xf32>
    %reduce_sum3A_158 = vector.extract %reduce_sum3A_157[0, 0] : f32 from vector<1x1xf32>
    %add3A_159 = arith.addf %get3A_153, %reduce_sum3A_158 : f32
    %swap3A = arith.constant 0 : index
    %swap3A_160 = memref.load %arg6[%swap3A] : memref<8xf32, #tpu.memory_space<smem>>
    memref.store %add3A_159, %arg6[%swap3A] : memref<8xf32, #tpu.memory_space<smem>>
    %get3A_161 = arith.constant 1 : index
    %get3A_162 = memref.load %arg6[%get3A_161] : memref<8xf32, #tpu.memory_space<smem>>
    %reduce_sum3A_163 = vector.shape_cast %reduce_sum3A_137 : vector<20xf32> to vector<1x20xf32>
    %reduce_sum3A_164 = arith.constant dense<0.000000e+00> : vector<1xf32>
    %reduce_sum3A_165 = vector.multi_reduction <add>, %reduce_sum3A_163, %reduce_sum3A_164 [1] : vector<1x20xf32> to vector<1xf32>
    %reduce_sum3A_166 = vector.shape_cast %reduce_sum3A_165 : vector<1xf32> to vector<1x1xf32>
    %reduce_sum3A_167 = vector.extract %reduce_sum3A_166[0, 0] : f32 from vector<1x1xf32>
    %add3A_168 = arith.addf %get3A_162, %reduce_sum3A_167 : f32
    %swap3A_169 = arith.constant 1 : index
    %swap3A_170 = memref.load %arg6[%swap3A_169] : memref<8xf32, #tpu.memory_space<smem>>
    memref.store %add3A_168, %arg6[%swap3A_169] : memref<8xf32, #tpu.memory_space<smem>>
    %get3A_171 = arith.constant 2 : index
    %get3A_172 = memref.load %arg6[%get3A_171] : memref<8xf32, #tpu.memory_space<smem>>
    %mul3A_173 = arith.mulf %div3A_151, %reduce_sum3A_133 : vector<20xf32>
    %reduce_sum3A_174 = vector.shape_cast %mul3A_173 : vector<20xf32> to vector<1x20xf32>
    %reduce_sum3A_175 = arith.constant dense<0.000000e+00> : vector<1xf32>
    %reduce_sum3A_176 = vector.multi_reduction <add>, %reduce_sum3A_174, %reduce_sum3A_175 [1] : vector<1x20xf32> to vector<1xf32>
    %reduce_sum3A_177 = vector.shape_cast %reduce_sum3A_176 : vector<1xf32> to vector<1x1xf32>
    %reduce_sum3A_178 = vector.extract %reduce_sum3A_177[0, 0] : f32 from vector<1x1xf32>
    %add3A_179 = arith.addf %get3A_172, %reduce_sum3A_178 : f32
    %swap3A_180 = arith.constant 2 : index
    %swap3A_181 = memref.load %arg6[%swap3A_180] : memref<8xf32, #tpu.memory_space<smem>>
    memref.store %add3A_179, %arg6[%swap3A_180] : memref<8xf32, #tpu.memory_space<smem>>
    %get3A_182 = arith.constant 3 : index
    %get3A_183 = memref.load %arg6[%get3A_182] : memref<8xf32, #tpu.memory_space<smem>>
    %mul3A_184 = arith.mulf %div3A_151, %reduce_sum3A_137 : vector<20xf32>
    %reduce_sum3A_185 = vector.shape_cast %mul3A_184 : vector<20xf32> to vector<1x20xf32>
    %reduce_sum3A_186 = arith.constant dense<0.000000e+00> : vector<1xf32>
    %reduce_sum3A_187 = vector.multi_reduction <add>, %reduce_sum3A_185, %reduce_sum3A_186 [1] : vector<1x20xf32> to vector<1xf32>
    %reduce_sum3A_188 = vector.shape_cast %reduce_sum3A_187 : vector<1xf32> to vector<1x1xf32>
    %reduce_sum3A_189 = vector.extract %reduce_sum3A_188[0, 0] : f32 from vector<1x1xf32>
    %add3A_190 = arith.addf %get3A_183, %reduce_sum3A_189 : f32
    %swap3A_191 = arith.constant 3 : index
    %swap3A_192 = memref.load %arg6[%swap3A_191] : memref<8xf32, #tpu.memory_space<smem>>
    memref.store %add3A_190, %arg6[%swap3A_191] : memref<8xf32, #tpu.memory_space<smem>>
    %get3A_193 = arith.constant 4 : index
    %get3A_194 = memref.load %arg6[%get3A_193] : memref<8xf32, #tpu.memory_space<smem>>
    %mul3A_195 = arith.mulf %div3A_151, %sub3A_145 : vector<20xf32>
    %reduce_sum3A_196 = vector.shape_cast %mul3A_195 : vector<20xf32> to vector<1x20xf32>
    %reduce_sum3A_197 = arith.constant dense<0.000000e+00> : vector<1xf32>
    %reduce_sum3A_198 = vector.multi_reduction <add>, %reduce_sum3A_196, %reduce_sum3A_197 [1] : vector<1x20xf32> to vector<1xf32>
    %reduce_sum3A_199 = vector.shape_cast %reduce_sum3A_198 : vector<1xf32> to vector<1x1xf32>
    %reduce_sum3A_200 = vector.extract %reduce_sum3A_199[0, 0] : f32 from vector<1x1xf32>
    %add3A_201 = arith.addf %get3A_194, %reduce_sum3A_200 : f32
    %swap3A_202 = arith.constant 4 : index
    %swap3A_203 = memref.load %arg6[%swap3A_202] : memref<8xf32, #tpu.memory_space<smem>>
    memref.store %add3A_201, %arg6[%swap3A_202] : memref<8xf32, #tpu.memory_space<smem>>
    %eq3A_204 = arith.constant 24 : i32
    %eq3A_205 = arith.cmpi eq, %arg0, %eq3A_204 : i32
    %convert_element_type3A_206 = arith.extui %eq3A_205 : i1 to i32
    %cond3A_207 = arith.constant 0 : i32
    %cond3A_208 = arith.cmpi ne, %convert_element_type3A_206, %cond3A_207 : i32
    scf.if %cond3A_208 {
      %get3A_209 = arith.constant 1 : index
      %get3A_210 = memref.load %arg6[%get3A_209] : memref<8xf32, #tpu.memory_space<smem>>
      %get3A_211 = arith.constant 0 : index
      %get3A_212 = memref.load %arg6[%get3A_211] : memref<8xf32, #tpu.memory_space<smem>>
      %div3A_213 = arith.divf %get3A_210, %get3A_212 : f32
      %mul3A_214 = arith.mulf %div3A_213, %div3A_213 : f32
      %get3A_215 = arith.constant 2 : index
      %get3A_216 = memref.load %arg6[%get3A_215] : memref<8xf32, #tpu.memory_space<smem>>
      %mul3A_217 = arith.mulf %mul3A_214, %get3A_216 : f32
      %mul3A_218 = arith.constant 2.000000e+00 : f32
      %mul3A_219 = arith.mulf %mul3A_218, %div3A_213 : f32
      %get3A_220 = arith.constant 3 : index
      %get3A_221 = memref.load %arg6[%get3A_220] : memref<8xf32, #tpu.memory_space<smem>>
      %mul3A_222 = arith.mulf %mul3A_219, %get3A_221 : f32
      %sub3A_223 = arith.subf %mul3A_217, %mul3A_222 : f32
      %get3A_224 = arith.constant 4 : index
      %get3A_225 = memref.load %arg6[%get3A_224] : memref<8xf32, #tpu.memory_space<smem>>
      %add3A_226 = arith.addf %sub3A_223, %get3A_225 : f32
      %broadcast_in_dim3A_227 = vector.broadcast %add3A_226 : f32 to vector<1x1xf32>
      %swap3A_228 = arith.constant 0 : index
      %swap3A_229 = arith.constant 0 : index
      %swap3A_230 = vector.load %arg5[%swap3A_228, %swap3A_229] : memref<1x1xf32, #tpu.memory_space<vmem>>, vector<1x1xf32>
      tpu.vector_store %arg5[%swap3A_228, %swap3A_229], %broadcast_in_dim3A_227 {strides = array<i32>} : memref<1x1xf32, #tpu.memory_space<vmem>>, vector<1x1xf32>,
    } else {
    }
    return
  }
  func.func @transform_0(%arg0: i32) -> (i32, i32, i32) {
    %c0_i32 = arith.constant 0 : i32
    %c0_i32_0 = arith.constant 0 : i32
    %c0_i32_1 = arith.constant 0 : i32
    return %arg0, %c0_i32, %c0_i32_0 : i32, i32, i32
  }
  func.func @transform_1(%arg0: i32) -> (i32, i32, i32) {
    %c0_i32 = arith.constant 0 : i32
    %c0_i32_0 = arith.constant 0 : i32
    %c0_i32_1 = arith.constant 0 : i32
    return %arg0, %c0_i32, %c0_i32_0 : i32, i32, i32
  }
  func.func @transform_2(%arg0: i32) -> (i32, i32, i32) {
    %c0_i32 = arith.constant 0 : i32
    %c0_i32_0 = arith.constant 0 : i32
    %c0_i32_1 = arith.constant 0 : i32
    return %arg0, %c0_i32, %c0_i32_0 : i32, i32, i32
  }
  func.func @transform_3(%arg0: i32) -> (i32, i32, i32) {
    %c0_i32 = arith.constant 0 : i32
    %c0_i32_0 = arith.constant 0 : i32
    %c0_i32_1 = arith.constant 0 : i32
    return %arg0, %c0_i32, %c0_i32_0 : i32, i32, i32
  }
  func.func @transform_4(%arg0: i32) -> (i32, i32) {
    %c0_i32 = arith.constant 0 : i32
    %c0_i32_0 = arith.constant 0 : i32
    %c0_i32_1 = arith.constant 0 : i32
    return %c0_i32, %c0_i32_0 : i32, i32
  }
}

</mosaic_0001>

<sc_bundles>
// kernel: kernel.4.cloned.1.call-start
scs
__scs_entry_jumppad:
0x0: {  	(pc) =	sbr.rel $0x88, $3  }
0x1: {  	(tag) =	ssettag $0x0;
	lr =	simm.s32 $0x1  }
0x2: {  	[smem:$0x3F9D] =	sst lr;
	_ =	strace $0xD0000000  }
0x3: {  	_ = 	snop  }
0x4: {  	_ = 	snop  }
0x5: {  	_ = 	snop  }
0x6: {  	_ = 	snop  }
0x7: {  	_ = 	snop  }
__scs_overlays_trampoline_lowered:
0x8: {  	[smem:$0x3FAC] =	sst s0  }
0x9: {  	[smem:$0x3FAD] =	sst s1  }
0xa: {  	[smem:$0x3FAE] =	sst s2  }
0xb: {  	[smem:$0x3FAF] =	sst s3  }
0xc: {  	[smem:$0x3FB0] =	sst s4  }
0xd: {  	[smem:$0x3FB1] =	sst s5  }
0xe: {  	[smem:$0x3FB2] =	sst s6  }
0xf: {  	[smem:$0x3FB3] =	sst s7  }
0x10: {  	[smem:$0x3FB4] =	sst s8  }
0x11: {  	[smem:$0x3FB5] =	sst s9;
	s0 =	simm.s32 @!p0 $0x0  }
0x12: {  	s1 =	sld [smem:$0x3F9B];
	s0 =	simm.s32 @p0 $0x1  }
0x13: {  	[smem:$0x3FB6] =	sst s0;
	s0 =	simm.s32 @!p1 $0x0  }
0x14: {  	s2 =	sld [smem:$0x3F9A];
	s0 =	simm.s32 @p1 $0x1  }
0x15: {  	[smem:$0x3FB7] =	sst s0;
	s0 =	simm.s32 @!p2 $0x0  }
0x16: {  	s3 =	sld [smem:$0x3FDB];
	s0 =	simm.s32 @p2 $0x1  }
0x17: {  	s4 =	simm.s32 $0x1BF5;
	[smem:$0x3FB9] =	sst s0  }
0x18: {  	s0 =	sld [smem:$0x3F9C];
	_ =	swait.ge [sflag:s4], $0x0  }
0x19: {  	s7 =	sld [smem:$0x3F9D]  }
0x1a: {  	s8 =	sadd.s32 $0xFFFFE003, lr  }
0x1b: {  	s9 =	sadd.s32 $0xFFFFFEF7, lr;
	s5 =	simm.s32 $0xFFFFFFFF;
	p2 =	slt.u32 s8, $0xFFFFF086  }
0x1c: {  	p1 =	slt.u32 s9, $0xF7A;
	s5 =	simm.s32 @!p2 $0x0  }
0x1d: {  	s5 =	simm.s32 @p1 $0x1;
	p0 =	seq.s32 s7, s2  }
0x1e: {  	s7 =	smul.u32 @!p0 $0xF7A, s2;
	p2 =	seq.s32 @!p0 s5, $0x0  }
0x1f: {  	s9 =	smul.u32 $0xF7A, s1;
	s8 =	simm.s32 @!p0 $0x1BF5;
	p2 =	por !p2, p0  }
0x20: {  	[sflag:s8] =	ssyncset.s32 @!p0 $0xFFFFF086;
	s6 =	sadd.s32 @!p0 s3, s7;
	s7 =	simm.s32 @!p0 $0x108  }
0x21: {  	s3 =	sadd.s32 s3, s9;
	s6 =	sadd.s32 @!p0 $0x88, s6;
	s7 =	simm.s32 @p2 $0x1082  }
0x22: {  	[simem:s7], [sflag:s8] =	dma.local @!p0 [hbm:s6], $0xF7A  }
0x23: {  	s9 =	sor.u32 $0xD0000000, s2;
	s6 =	simm.s32 $0x108;
	_ =	swait.ge @!p0 [sflag:s8], $0x0  }
0x24: {  	s3 =	sadd.s32 $0x88, s3;
	s6 =	simm.s32 @!p1 $0x1082;
	[sflag:s4] =	ssyncset.s32 $0xFFFFF086  }
0x25: {  	[simem:s6], [sflag:s4] =	dma.local [hbm:s3], $0xF7A  }
0x26: {  	[smem:$0x3F9D] =	sst s1;
	(tag) =	ssettag s2;
	_ =	strace s9  }
0x27: {  	s1 =	sld [smem:$0x3FAD]  }
0x28: {  	s2 =	sld [smem:$0x3FAE]  }
0x29: {  	s4 =	sld [smem:$0x3FB0]  }
0x2a: {  	p0 =	seq.s32 s5, $0x0;
	s5 =	sld [smem:$0x3FB1]  }
0x2b: {  	s6 =	sld [smem:$0x3FB2]  }
0x2c: {  	s7 =	sld [smem:$0x3FB3]  }
0x2d: {  	s3 =	simm.s32 $0x108;
	s8 =	sld [smem:$0x3FB4]  }
0x2e: {  	s3 =	simm.s32 @!p0 $0x1082;
	s9 =	sld [smem:$0x3FB5]  }
0x2f: {  	lr =	sadd.s32 s0, s3;
	s0 =	sld [smem:$0x3FAC]  }
0x30: {  	s3 =	sld [smem:$0x3FAF]  }
0x31: {  	[smem:$0x3FB8] =	sst s10  }
0x32: {  	s10 =	sld [smem:$0x3FB6];
	_ =	sdelay $0x3  }
0x33: {  	p0 =	seq.s32 s10, $0x1;
	s10 =	sld [smem:$0x3FB8];
	_ =	sdelay $0x3  }
0x34: {  	[smem:$0x3FB8] =	sst s10  }
0x35: {  	s10 =	sld [smem:$0x3FB7];
	_ =	sdelay $0x3  }
0x36: {  	p1 =	seq.s32 s10, $0x1;
	s10 =	sld [smem:$0x3FB8];
	_ =	sdelay $0x3  }
0x37: {  	[smem:$0x3FB8] =	sst s10  }
0x38: {  	s10 =	sld [smem:$0x3FB9]  }
0x39: {  	_ = 	snop;
	(pc) =	sbr.ind lr, $3  }
0x3a: {  	_ = 	snop  }
0x3b: {  	_ = 	snop  }
0x3c: {  	p2 =	seq.s32 s10, $0x1;
	s10 =	sld [smem:$0x3FB8]  }
0x3d: {  	_ =	shalt  }
0x3e: {  	_ =	shalt  }
0x3f: {  	_ =	shalt  }
0x40: {  	_ =	shalt  }
0x41: {  	_ =	shalt  }
0x42: {  	_ =	shalt  }
0x43: {  	_ =	shalt  }
0x44: {  	_ =	shalt  }
0x45: {  	_ =	shalt  }
0x46: {  	_ =	shalt  }
0x47: {  	_ =	shalt  }
0x48: {  	_ =	shalt  }
0x49: {  	_ =	shalt  }
0x4a: {  	_ =	shalt  }
0x4b: {  	_ =	shalt  }
0x4c: {  	_ =	shalt  }
0x4d: {  	_ =	shalt  }
0x4e: {  	_ =	shalt  }
0x4f: {  	_ =	shalt  }
0x50: {  	_ =	shalt  }
0x51: {  	_ =	shalt  }
0x52: {  	_ =	shalt  }
0x53: {  	_ =	shalt  }
0x54: {  	_ =	shalt  }
0x55: {  	_ =	shalt  }
0x56: {  	_ =	shalt  }
0x57: {  	_ =	shalt  }
0x58: {  	_ =	shalt  }
0x59: {  	_ =	shalt  }
0x5a: {  	_ =	shalt  }
0x5b: {  	_ =	shalt  }
0x5c: {  	_ =	shalt  }
0x5d: {  	_ =	shalt  }
0x5e: {  	_ =	shalt  }
0x5f: {  	_ =	shalt  }
0x60: {  	_ =	shalt  }
0x61: {  	_ =	shalt  }
0x62: {  	_ =	shalt  }
0x63: {  	_ =	shalt  }
0x64: {  	_ =	shalt  }
0x65: {  	_ =	shalt  }
0x66: {  	_ =	shalt  }
0x67: {  	_ =	shalt  }
0x68: {  	_ =	shalt  }
0x69: {  	_ =	shalt  }
0x6a: {  	_ =	shalt  }
0x6b: {  	_ =	shalt  }
0x6c: {  	_ =	shalt  }
0x6d: {  	_ =	shalt  }
0x6e: {  	_ =	shalt  }
0x6f: {  	_ =	shalt  }
0x70: {  	_ =	shalt  }
0x71: {  	_ =	shalt  }
0x72: {  	_ =	shalt  }
0x73: {  	_ =	shalt  }
0x74: {  	_ =	shalt  }
0x75: {  	_ =	shalt  }
0x76: {  	_ =	shalt  }
0x77: {  	_ =	shalt  }
0x78: {  	_ =	shalt  }
0x79: {  	_ =	shalt  }
0x7a: {  	_ =	shalt  }
0x7b: {  	_ =	shalt  }
0x7c: {  	_ =	shalt  }
0x7d: {  	_ =	shalt  }
0x7e: {  	_ =	shalt  }
0x7f: {  	_ =	shalt  }
0x80: {  	_ =	shalt  }
0x81: {  	_ =	shalt  }
0x82: {  	_ =	shalt  }
0x83: {  	_ =	shalt  }
0x84: {  	_ =	shalt  }
0x85: {  	_ =	shalt  }
0x86: {  	_ =	shalt  }
0x87: {  	_ =	shalt  }
.Lfunc_end0:
.L_simem_size_0:
called_computation_lowered:
.L_overlay_start_0:
0x88: {  	s2 =	sld [smem:$0x3FD9]  }
0x89: {  	s3 =	sld [smem:$0x3FFE];
	_ =	sdelay $0x1  }
0x8a: {  	s1 =	srdreg.scid  }
0x8b: {  	s0 =	sand.u32 $0x1, s1  }
0x8c: {  	s16 =	sshll.u32 s0, $0xA;
	s2 =	sadd.s32 s3, s2  }
0x8d: {  	s2 =	sadd.s32 s2, s16  }
0x8e: {  	[smem:$0x3FC4] =	sst s2  }
0x8f: {  	_ = 	snop  }
0x90: {  	(tm) =	ssettm $0x1  }
0x91: {  	s17 =	sld [smem:$0x3FFB];
	_ =	sdelay $0x3  }
0x92: {  	_ =	strace s17  }
0x93: {  	s2 =	sld [smem:$0x3FFC];
	_ =	sdelay $0x3  }
0x94: {  	_ =	strace s2  }
0x95: {  	s2 =	sld [smem:$0x3FFD];
	_ =	sdelay $0x3  }
0x96: {  	_ =	strace s2  }
0x97: {  	_ =	strace $0x8FFFFFFF  }
0x98: {  	s18 =	sld [smem:$0x3FDB];
	_ =	sdelay $0x1  }
0x99: {  	s19 =	simm.s32 $_scs_section_size  }
0x9a: {  	s4 =	simm.s32 $_size__tile_overlayer_lowered;
	s5 =	simm.s32 $_tile_overlayer_lowered  }
0x9b: {  	s22 =	simm.s32 $0x1BFF;
	s21 =	sshll.u32 s5, $0x1;
	s2 =	sadd.s32 s19, s18  }
0x9c: {  	s6 =	simm.s32 $0x0;
	s20 =	sshll.u32 s4, $0x1;
	s4 =	sadd.s32 s21, s2  }
0x9d: {  	[timem:s6], [sflag:s22] =	dma.local [hbm:s4], s20  }
0x9e: {  	_ =	swait.ge [sflag:s22], s20  }
0x9f: {  	s3 =	ssub.s32 $0x0, s20;
	[sflag:s22] =	ssyncset.done $0x0  }
0xa0: {  	[sflag:s22] =	ssyncadd.s32 s3;
	_ =	sdelay $0x1  }
0xa1: {  	s23 =	simm.s32 $0x1B8B  }
0xa2: {  	_ =	swait.ge [sflag:s23], $0x1  }
0xa3: {  	[sflag:s23] =	ssyncset.done $0x0  }
0xa4: {  	s25 =	simm.s32 $0x1B8E;
	s24 =	sld [smem:$0x3FFE];
	[sflag:s23] =	ssyncadd.s32 $0xFFFFFFFF  }
0xa5: {  	s26 =	simm.s32 $execute0_lowered;
	[smem:$0x3FD2] =	sst s25  }
0xa6: {  	s4 =	sshll.u32 s26, $0x1;
	_ =	strace $0x80000046;
	[dreg:$0x1] =	wrdreg $0xFFFFFFFF  }
0xa7: {  	s28 =	simm.s32 $_size_execute0_lowered;
	s2 =	sadd.s32 s2, s4;
	[dreg:$0x0] =	wrdreg $0x0  }
0xa8: {  	s4 =	sshll.u32 s28, $0x1;
	[dreg:$0x2] =	wrdreg s2  }
0xa9: {  	[dreg:$0x3] =	wrdreg s4  }
0xaa: {  	[dreg:$0x4] =	wrdreg $0xC0  }
0xab: {  	_ =	task [dreg:s6], $0x5FFFF  }
0xac: {  	[dreg:$0x1] =	wrdreg $0xFFFFFFFF  }
0xad: {  	[dreg:$0x0] =	wrdreg $0x60  }
0xae: {  	[dreg:$0x2] =	wrdreg s24  }
0xaf: {  	[dreg:$0x3] =	wrdreg $0x9  }
0xb0: {  	_ =	task.clear_ibuf [dreg:s6], $0x4FFFF;
	_ =	strace $0x90000046  }
0xb1: {  	s29 =	simm.s32 $0x9;
	_ =	strace $0x80000048  }
0xb2: {  	_ =	swait.ge [sflag:s29], $0x1  }
0xb3: {  	[sflag:s29] =	ssyncadd.s32 $0xFFFFFFFF  }
0xb4: {  	_ =	strace $0x90000048  }
0xb5: {  	_ =	sfence  }
0xb6: {  	s30 =	sld [smem:$0x0];
	_ =	sdelay $0x2  }
0xb7: {  	s31 =	sshll.u32 s1, $0xD;
	s1 =	sshrl.u32 s1, $0x2  }
0xb8: {  	s3 =	sand.u32 $0x4000, s31;
	s1 =	sadd.s32 s1, s30  }
0xb9: {  	s0 =	sor.u32 s3, s0;
	s1 =	sshll.u32 s1, $0x11  }
0xba: {  	s0 =	sor.u32 s1, s0  }
0xbb: {  	s0 =	sadd.s32 $0x8F2B, s0  }
0xbc: {  	[sflag:s0] =	ssyncadd.remote.s32 $0x1  }
0xbd: {  	_ =	sfence.sel $0xFFFF  }
0xbe: {  	[dreg:$0x0] =	wrdreg $0xFFFFFFFF;
	(pc) =	sbr.abs _section_cstart, $3  }
0xbf: {  	[dreg:$0x1] =	wrdreg $0xFFFFFFFF  }
0xc0: {  	_ =	task.clear_ibuf [dreg:s6], $0x2FFFF;
	_ =	strace $0x9FFFFFFF  }
0xc1: {  	(tm) =	ssettm $0x7FFFFFFF  }
tec
execute0_lowered:
.L_overlay_start_1:
0x0: {  	(tag) =	ssettag $0x1  }
0x1: {  	s3 =	rddreg [dreg:$0x0];
	s2 =	srdreg.scid  }
0x2: {  	s0 =	rddreg [dreg:$0x1];
	s1 =	simm.s32 $0x0;
	s8 =	simm.s32 $0x2  }
.Ltmp0:
0x3: {  	s9 =	simm.s32 $0x135E0;
	s2 =	sand.u32 $0x1, s2;
	(pc) =	sbr.rel .LBB2_1-.Ltmp0, $4  }
0x4: {  	s10 =	simm.s32 $0x1;
	s11 =	simm.s32 $0x0;
	s6 =	ssub.s32 $0x2, s2  }
0x5: {  	[smem:$0x7FF] =	sst s1;
	s4 =	sadd.s32 $0xA00, s3;
	s7 =	sshrl.u32 s6, $0x1  }
0x6: {  	v0 =	vlaneseq.u32;
	s5 =	sadd.s32 $0x4B9200, s3;
	s3 =	stileid.u32;
	s7 =	ssub.s32 s6, s7  }
0x7: {  	v0 =	vmul.u32 $0x8, v0;
	_ =	strace $0x80000047;
	s6 =	sshll.u32 s3, $0x1;
	s7 =	smax.u32 s7, $0x1  }
.LBB2_7:
0x8: {  	s11 =	sadd.s32 $0x1, s11  }
0x9: {  	p0 =	sne.s32 s11, s7  }
.Ltmp1:
0xa: {  	_ = 	snop;
	(pc) =	sbr.rel @!p0 .LBB2_8-.Ltmp1, $1  }
0xb: {  	_ =	sdelay $0x3  }
.LBB2_1:
.Ltmp2:
0xc: {  	(pc) =	sbr.rel .LBB2_2-.Ltmp2, $2  }
0xd: {  	_ =	sdelay $0x2  }
0xe: {  	s12 =	simm.s32 $0x0  }
.LBB2_6:
0xf: {  	s12 =	sadd.s32 $0x1, s12  }
0x10: {  	p0 =	sne.s32 s12, $0x10  }
.Ltmp3:
0x11: {  	_ = 	snop;
	(pc) =	sbr.rel @!p0 .LBB2_7-.Ltmp3, $1  }
0x12: {  	_ =	sdelay $0x3  }
.LBB2_2:
0x13: {  	s13 =	sshll.u32 s12, $0x5  }
0x14: {  	s13 =	sor.u32 s6, s13  }
0x15: {  	p0 =	sgt.u32 s13, $0x1F3  }
.Ltmp4:
0x16: {  	_ = 	snop;
	(pc) =	sbr.rel @p0 .LBB2_6-.Ltmp4, $1  }
0x17: {  	_ =	sdelay $0x3  }
0x18: {  	s13 =	sor.u32 s2, s13;
	s14 =	simm.s32 $0x0  }
0x19: {  	s15 =	smul.u32 $0x26AC, s13;
	v1 =	vmov s14  }
0x1a: {  	v1 =	vshll.u32 v1, $0x3  }
0x1b: {  	s24 =	sadd.s32 s4, s15;
	v1 =	vadd.s32 v0, v1  }
0x1c: {  	[tilespmem:s1], [sflag:$0x2] =	stream.linear.gather [hbm4b:s24+s1], $0x13560, $0x38;
	[tilespmem:$0x167E0] =	vst v63  }
0x1d: {  	_ =	swait.ge [sflag:s8], $0x13560  }
0x1e: {  	s25 =	simm.s32 $0x10;
	[sflag:s8] =	ssyncset.done $0x0  }
0x1f: {  	v2 =	vmov s25;
	[sflag:s8] =	ssyncadd.s32 $0xFFFECAA0  }
0x20: {  	v2 =	vshll.u32 v2, $0x3;
	v1 =	vld.idx.msk [tilespmem:v1+s1+$0x0], $0xffff  }
0x21: {  	v2 =	vadd.s32 v0, v2;
	_ =	sdelay $0x2  }
0x22: {  	s26 =	simm.s32 $0x20;
	s14 =	simm.s32 $0x13610  }
0x23: {  	[tilespmem:s14+$0xFFFFFFD0] =	vst v1;
	v1 =	vmov s26  }
0x24: {  	v2 =	vld.idx.msk [tilespmem:v2+s1+$0x0], $0xffff;
	v1 =	vshll.u32 v1, $0x3  }
0x25: {  	v1 =	vadd.s32 v0, v1;
	_ =	sdelay $0x2  }
0x26: {  	s28 =	simm.s32 $0x30  }
0x27: {  	[tilespmem:s14+$0xFFFFFFE0] =	vst v2;
	v2 =	vmov s28  }
0x28: {  	v1 =	vld.idx.msk [tilespmem:v1+s1+$0x0], $0xffff;
	v2 =	vshll.u32 v2, $0x3  }
0x29: {  	v2 =	vadd.s32 v0, v2;
	_ =	sdelay $0x2  }
0x2a: {  	s29 =	simm.s32 $0x40  }
0x2b: {  	[tilespmem:s14+$0xFFFFFFF0] =	vst v1;
	v1 =	vmov s29  }
0x2c: {  	v2 =	vld.idx.msk [tilespmem:v2+s1+$0x0], $0xffff;
	v1 =	vshll.u32 v1, $0x3  }
0x2d: {  	v1 =	vadd.s32 v0, v1;
	_ =	sdelay $0x2  }
0x2e: {  	s30 =	simm.s32 $0x50  }
0x2f: {  	[tilespmem:s14+$0x0] =	vst v2;
	v2 =	vmov s30  }
0x30: {  	v1 =	vld.idx.msk [tilespmem:v1+s1+$0x0], $0xffff;
	v2 =	vshll.u32 v2, $0x3  }
0x31: {  	v2 =	vadd.s32 v0, v2;
	_ =	sdelay $0x2  }
0x32: {  	s31 =	simm.s32 $0x60  }
0x33: {  	[tilespmem:s14+$0x10] =	vst v1;
	v1 =	vmov s31  }
0x34: {  	v2 =	vld.idx.msk [tilespmem:v2+s1+$0x0], $0xffff;
	v1 =	vshll.u32 v1, $0x3  }
0x35: {  	v1 =	vadd.s32 v0, v1;
	_ =	sdelay $0x3  }
0x36: {  	s17 =	simm.s32 $0x63;
	s16 =	simm.s32 $0x126;
	s15 =	simm.s32 $0xC3;
	[tilespmem:s14+$0x20] =	vst v2  }
.LBB2_4:
0x37: {  	p0 =	sne.s32 s16, $0x26A9;
	v2 =	vmov s17;
	v1 =	vld.idx.msk [tilespmem:v1+s1+$0x0], $0xffff  }
0x38: {  	v2 =	vshll.u32 v2, $0x3  }
0x39: {  	v2 =	vadd.s32 v0, v2;
	_ =	sdelay $0x3  }
0x3a: {  	s17 =	sadd.s32 $0xFFFFFFB0, s15;
	[tilespmem:s14+$0x30] =	vst v1  }
0x3b: {  	v1 =	vld.idx.msk [tilespmem:v2+s1+$0x0], $0xffff;
	v2 =	vmov s17  }
0x3c: {  	v2 =	vshll.u32 v2, $0x3  }
0x3d: {  	v2 =	vadd.s32 v0, v2;
	_ =	sdelay $0x2  }
0x3e: {  	s14 =	sadd.s32 $0x80, s14  }
0x3f: {  	s17 =	sadd.s32 $0xFFFFFFC0, s15;
	[tilespmem:s14+$0xFFFFFFD0] =	vst v1  }
0x40: {  	v1 =	vld.idx.msk [tilespmem:v2+s1+$0x0], $0xffff;
	v2 =	vmov s17  }
0x41: {  	v2 =	vshll.u32 v2, $0x3  }
0x42: {  	v2 =	vadd.s32 v0, v2;
	_ =	sdelay $0x3  }
0x43: {  	s17 =	sadd.s32 $0xFFFFFFD0, s15;
	[tilespmem:s14+$0xFFFFFFE0] =	vst v1  }
0x44: {  	v1 =	vld.idx.msk [tilespmem:v2+s1+$0x0], $0xffff;
	v2 =	vmov s17  }
0x45: {  	v2 =	vshll.u32 v2, $0x3  }
0x46: {  	v2 =	vadd.s32 v0, v2;
	_ =	sdelay $0x3  }
0x47: {  	s17 =	sadd.s32 $0xFFFFFFE0, s15;
	[tilespmem:s14+$0xFFFFFFF0] =	vst v1  }
0x48: {  	v1 =	vld.idx.msk [tilespmem:v2+s1+$0x0], $0xffff;
	v2 =	vmov s17  }
0x49: {  	v2 =	vshll.u32 v2, $0x3  }
0x4a: {  	v2 =	vadd.s32 v0, v2;
	_ =	sdelay $0x3  }
0x4b: {  	s17 =	sadd.s32 $0xFFFFFFF0, s15;
	[tilespmem:s14+$0x0] =	vst v1  }
0x4c: {  	v1 =	vld.idx.msk [tilespmem:v2+s1+$0x0], $0xffff;
	v2 =	vmov s17  }
0x4d: {  	v2 =	vshll.u32 v2, $0x3  }
0x4e: {  	v2 =	vadd.s32 v0, v2;
	_ =	sdelay $0x3  }
0x4f: {  	[tilespmem:s14+$0x10] =	vst v1  }
0x50: {  	v1 =	vmov s15;
	s15 =	smov.u32 s16;
	v2 =	vld.idx.msk [tilespmem:v2+s1+$0x0], $0xffff  }
0x51: {  	v1 =	vshll.u32 v1, $0x3  }
.Ltmp5:
0x52: {  	v1 =	vadd.s32 v0, v1;
	(pc) =	sbr.rel @p0 .LBB2_4-.Ltmp5, $2  }
0x53: {  	_ =	sdelay $0x2  }
0x54: {  	s16 =	sadd.s32 $0x63, s16;
	s17 =	sadd.s32 $0xFFFFFFA0, s15;
	[tilespmem:s14+$0x20] =	vst v2  }
0x55: {  	_ =	sdelay $0x2  }
0x56: {  	v2 =	vmov s17  }
0x57: {  	v1 =	vld.idx.msk [tilespmem:v1+s1+$0x0], $0xffff;
	v2 =	vshll.u32 v2, $0x3  }
0x58: {  	v2 =	vadd.s32 v0, v2;
	_ =	sdelay $0x2  }
0x59: {  	s16 =	sadd.s32 $0xFFFFFFB0, s15  }
0x5a: {  	[tilespmem:s14+$0x30] =	vst v1;
	v1 =	vmov s16  }
0x5b: {  	v1 =	vshll.u32 v1, $0x3;
	v2 =	vld.idx.msk [tilespmem:v2+s1+$0x0], $0xffff  }
0x5c: {  	v1 =	vadd.s32 v0, v1;
	_ =	sdelay $0x2  }
0x5d: {  	s26 =	sadd.s32 $0x80, s14;
	s28 =	sadd.s32 $0xFFFFFFC0, s15  }
0x5e: {  	[tilespmem:s26+$0xFFFFFFD0] =	vst v2;
	v2 =	vmov s28  }
0x5f: {  	v1 =	vld.idx.msk [tilespmem:v1+s1+$0x0], $0xffff;
	v2 =	vshll.u32 v2, $0x3  }
0x60: {  	v2 =	vadd.s32 v0, v2;
	_ =	sdelay $0x2  }
0x61: {  	s29 =	sadd.s32 $0xFFFFFFD0, s15  }
0x62: {  	[tilespmem:s26+$0xFFFFFFE0] =	vst v1;
	v1 =	vmov s29  }
0x63: {  	v2 =	vld.idx.msk [tilespmem:v2+s1+$0x0], $0xffff;
	v1 =	vshll.u32 v1, $0x3  }
0x64: {  	v1 =	vadd.s32 v0, v1;
	_ =	sdelay $0x2  }
0x65: {  	s30 =	sadd.s32 $0xFFFFFFE0, s15  }
0x66: {  	[tilespmem:s26+$0xFFFFFFF0] =	vst v2;
	v2 =	vmov s30  }
0x67: {  	v1 =	vld.idx.msk [tilespmem:v1+s1+$0x0], $0xffff;
	v2 =	vshll.u32 v2, $0x3  }
0x68: {  	v2 =	vadd.s32 v0, v2;
	_ =	sdelay $0x2  }
0x69: {  	s31 =	sadd.s32 $0xFFFFFFF0, s15  }
0x6a: {  	[tilespmem:s26+$0x0] =	vst v1;
	v1 =	vmov s31  }
0x6b: {  	v2 =	vld.idx.msk [tilespmem:v2+s1+$0x0], $0xffff;
	v1 =	vshll.u32 v1, $0x3  }
0x6c: {  	v1 =	vadd.s32 v0, v1;
	_ =	sdelay $0x3  }
0x6d: {  	[tilespmem:s26+$0x10] =	vst v2;
	v2 =	vmov s15  }
0x6e: {  	v1 =	vld.idx.msk [tilespmem:v1+s1+$0x0], $0xffff;
	v2 =	vshll.u32 v2, $0x3  }
0x6f: {  	v2 =	vadd.s32 v0, v2;
	_ =	sdelay $0x3  }
0x70: {  	[tilespmem:s26+$0x20] =	vst v1  }
0x71: {  	v1 =	vld.idx.msk [tilespmem:v2+s1+$0x0], $0xffff;
	_ =	sdelay $0x2  }
0x72: {  	s13 =	smul.u32 $0x680, s13;
	_ =	sdelay $0x1  }
.Ltmp6:
0x73: {  	s13 =	sadd.s32 s5, s13;
	[tilespmem:s26+$0x30] =	vst v1;
	(pc) =	sbr.rel .LBB2_6-.Ltmp6, $4  }
0x74: {  	[hbm4b:s13+s1] =	stream.linear.scatter [tilespmem:s9], [sflag:$0x1], $0x3200, $0x38;
	[tilespmem:$0x167E0] =	vst v63  }
0x75: {  	_ =	swait.ge [sflag:s10], $0x3200  }
0x76: {  	[sflag:s10] =	ssyncset.done $0x0  }
0x77: {  	[sflag:s10] =	ssyncadd.s32 $0xFFFFCE00  }
.LBB2_8:
0x78: {  	_ =	sfence.sel $0x180000  }
0x79: {  	[bflag:$0x0] =	sbarrier.arrive $0xFFFF  }
0x7a: {  	p0 =	sne.s32 s3, $0x0;
	_ =	strace $0x90000047  }
0x7b: {  	s0 =	sadd.s32 @!p0 $0x100000, s0;
	[bflag:$0x2] =	sbarrier.arrive $0xFFFF  }
0x7c: {  	[sflag:s0] =	ssyncadd.tile.s32 @!p0 $0x1;
	_ =	shalt  }
.Lfunc_end2:
_tile_overlayer_lowered:
.L_overlay_start_2:
0x7d: {  	(tag) =	ssettag $0x2  }
0x7e: {  	s0 =	rddreg [dreg:$0x0];
	s2 =	stileid.u32  }
0x7f: {  	s1 =	rddreg [dreg:$0x1];
	p0 =	sne.s32 s2, $0x0  }
0x80: {  	s3 =	rddreg [dreg:$0x2];
	[bflag:$0x3] =	sbarrier.arrive $0xFFFF;
	s2 =	simm.s32 @!p0 $0x1C01  }
0x81: {  	[timem:s3], [sflag:s2] =	dma.local @!p0 [hbm:s0], s1  }
0x82: {  	s0 =	simm.s32 @!p0 $0x1  }
0x83: {  	_ =	swait.ge @!p0 [sflag:s0], s1  }
0x84: {  	s1 =	ssub.s32 @!p0 $0x0, s1;
	[sflag:s0] =	ssyncset.done @!p0 $0x0  }
0x85: {  	[sflag:s0] =	ssyncadd.s32 @!p0 s1  }
0x86: {  	[bflag:$0x3] =	sbarrier.arrive $0xFFFF  }
0x87: {  	_ =	shalt  }

</sc_bundles>
